<compile_context>
chip_gen: v7x
topology: tpu7x:2x2x1
jax: 0.10.2.dev20260603
libtpu: 0.0.44.dev20260713+nightly
codegen_flags: <defaults>
</compile_context>

<pallas_src>
import functools

import jax
import jax.numpy as jnp
from jax import lax
from jax.experimental import pallas as pl
from jax.experimental.pallas import tpu as pltpu
from jax.experimental.pallas import tpu_sc as plsc

_N = 1 << 16
_L = 16
_NC = 2
_NS = 16
_ROWS_PER_W = _N // (_NC * _NS)


def _sc_body(lut_hbm, out_hbm, lut_v, out_v, sem):
    wid = lax.axis_index("s") * _NC + lax.axis_index("c")
    base = wid * _ROWS_PER_W

    pltpu.sync_copy(lut_hbm, lut_v)

    lane = jnp.arange(_L, dtype=jnp.int32)

    @plsc.parallel_loop(0, _ROWS_PER_W, step=_L, unroll=4)
    def chunk(k):
        j = k + lane
        i = base + j
        t = i * (i + 1)
        e = (lax.shift_right_logical(t, jnp.int32(5)) & jnp.int32(768)) | (
            lax.shift_right_logical(t, jnp.int32(6)) & jnp.int32(127))
        c0 = plsc.load_gather(lut_v, [e])
        c1 = plsc.load_gather(lut_v, [e | jnp.int32(128)])
        s = lax.shift_left(t & jnp.int32(0x8000), jnp.int32(16))
        c0 = plsc.bitcast(plsc.bitcast(c0, jnp.int32) ^ s, jnp.float32)
        off = (lax.shift_right_logical(k, jnp.int32(7)) << jnp.int32(8)) | (
            k & jnp.int32(127))
        out_v[pl.ds(off, _L)] = c0
        out_v[pl.ds(off + jnp.int32(128), _L)] = c1

    pltpu.sync_copy(out_v, out_hbm.at[pl.ds(base * 2, 2 * _ROWS_PER_W)])


@jax.jit
def kernel(lut):
    with jax.enable_x64(False):
        mesh = plsc.VectorSubcoreMesh(core_axis_name="c", subcore_axis_name="s")
        run = functools.partial(
            pl.kernel,
            out_type=jax.ShapeDtypeStruct((2 * _N,), jnp.float32),
            mesh=mesh,
            scratch_types=[
                pltpu.VMEM((1024,), jnp.float32),
                pltpu.VMEM((2 * _ROWS_PER_W,), jnp.float32),
                pltpu.SemaphoreType.DMA,
            ],
            compiler_params=pltpu.CompilerParams(needs_layout_passes=False),
        )(_sc_body)
        lut_p = lut.astype(jnp.float32).reshape(4, 128, 2)
        lut_p = lut_p.transpose(0, 2, 1).reshape(1024)
        flat = run(lut_p)
        return flat.reshape(512, 2, 128).transpose(0, 2, 1).reshape(_N, 2)

# --- scband reference (transcript-rebuilt; emitter-appended) ---
"""Pipeline reference for scband-codebook-qtiphyb-61057255080570 (READ-ONLY COPY).

The authoritative reference and input builder live on the scoring server;
editing this copy changes nothing except your own understanding.
"""

import jax, jax.numpy as jnp
import numpy as np

jax.config.update("jax_enable_x64", True)


def setup_inputs(seed: int = 0) -> dict:
    key = jax.random.key(seed)
    # learned parameter: lut of shape [2**lut_vector_bits, V] = [512, 2]
    lut = jax.random.normal(key, (512, 2), dtype=jnp.float32)
    # mimic the kmeans-init normalization in __init__
    lut = lut / jnp.std(lut) * 0.9682458365518543
    return {"lut": lut}


def reference(lut):
    L = 16
    lut_vector_bits = 9
    # int64 needed: (table+1)*table overflows int32 for table up to 2**16-1
    table = jnp.arange(1 << L, dtype=jnp.int64)
    table = (table + 1) * table
    sflp = 1 - ((table >> 15) & 1) * 2
    # python precedence in original: table >> (16 - lut_vector_bits - 1) & ((1 << lut_vector_bits) - 1)
    table = (table >> (16 - lut_vector_bits - 1)) & ((1 << lut_vector_bits) - 1)
    training_lut = lut[table]  # gather: [65536, 2]
    training_lut = training_lut.at[:, 0].set(training_lut[:, 0] * sflp.astype(lut.dtype))
    return training_lut

if __name__ == "__main__":
    import jax
    _d = setup_inputs()
    print(jax.jit(kernel)(*tuple(_d.values())))

</pallas_src>

<mosaic_0001>
#map = affine_map<(d0, d1) -> (0)>
module attributes {stable_mosaic.version = 14 : i64} {
  func.func @_sc_body(%arg0: i32, %arg1: i32, %arg2: memref<1024xf32, #tpu.memory_space<hbm>>, %arg3: memref<131072xf32, #tpu.memory_space<hbm>>, %arg4: memref<1024xf32, #tpu.memory_space<vmem>>, %arg5: memref<4096xf32, #tpu.memory_space<vmem>>, %arg6: memref<!tpu.dma_semaphore, #tpu.memory_space<semaphore_mem>>) attributes {dimension_semantics = [#tpu.dimension_semantics<core_parallel>, #tpu.dimension_semantics<subcore_parallel>], iteration_bounds = array<i64: 2, 16>, scalar_prefetch = 0 : i64, scratch_operands = 3 : i64, tpu.core_type = #tpu.core_type<sc_vector_subcore>, window_params = [{transform_indices = #map}, {transform_indices = #map}]} {
    %mul3A = arith.constant 2 : i32
    %mul3A_0 = arith.muli %arg1, %mul3A : i32
    %add3A = arith.addi %mul3A_0, %arg0 : i32
    %mul3A_1 = arith.constant 2048 : i32
    %mul3A_2 = arith.muli %add3A, %mul3A_1 : i32
    "tpu.region"() ({
      %run_scoped3A = tpu.sem_alloc : memref<!tpu.dma_semaphore, #tpu.memory_space<semaphore_mem>>
      tpu.enqueue_dma source(%arg2 : memref<1024xf32, #tpu.memory_space<hbm>>) target(%arg4 : memref<1024xf32, #tpu.memory_space<vmem>>) target_semaphore(%run_scoped3A : memref<!tpu.dma_semaphore, #tpu.memory_space<semaphore_mem>>)
      tpu.wait_dma2 semaphore(%run_scoped3A : memref<!tpu.dma_semaphore, #tpu.memory_space<semaphore_mem>>) src(%arg2 : memref<1024xf32, #tpu.memory_space<hbm>>) dst(%arg4 : memref<1024xf32, #tpu.memory_space<vmem>>)
      tpu.yield
    }) : () -> ()
    %iota3A = tpu.iota {dimensions = array<i32: 0>} : vector<16xi32>
    %parallel_loop3A = arith.constant 0 : i32
    %parallel_loop3A_3 = arith.constant 2048 : i32
    %parallel_loop3A_4 = arith.constant 16 : i32
    scf.for %parallel_loop3A_7 = %parallel_loop3A to %parallel_loop3A_3 step %parallel_loop3A_4  : i32 {
      %parallel_loop3A_8 = vector.broadcast %parallel_loop3A_7 : i32 to vector<16xi32>
      %parallel_loop3A_9 = arith.addi %parallel_loop3A_8, %iota3A : vector<16xi32>
      %parallel_loop3A_10 = vector.broadcast %mul3A_2 : i32 to vector<16xi32>
      %parallel_loop3A_11 = arith.addi %parallel_loop3A_10, %parallel_loop3A_9 : vector<16xi32>
      %parallel_loop3A_12 = arith.constant 1 : i32
      %parallel_loop3A_13 = vector.broadcast %parallel_loop3A_12 : i32 to vector<16xi32>
      %parallel_loop3A_14 = arith.addi %parallel_loop3A_11, %parallel_loop3A_13 : vector<16xi32>
      %parallel_loop3A_15 = arith.muli %parallel_loop3A_11, %parallel_loop3A_14 : vector<16xi32>
      %parallel_loop3A_16 = arith.constant 5 : i32
      %parallel_loop3A_17 = vector.broadcast %parallel_loop3A_16 : i32 to vector<16xi32>
      %parallel_loop3A_18 = arith.shrui %parallel_loop3A_15, %parallel_loop3A_17 : vector<16xi32>
      %parallel_loop3A_19 = arith.constant 768 : i32
      %parallel_loop3A_20 = vector.broadcast %parallel_loop3A_19 : i32 to vector<16xi32>
      %parallel_loop3A_21 = arith.andi %parallel_loop3A_18, %parallel_loop3A_20 : vector<16xi32>
      %parallel_loop3A_22 = arith.constant 6 : i32
      %parallel_loop3A_23 = vector.broadcast %parallel_loop3A_22 : i32 to vector<16xi32>
      %parallel_loop3A_24 = arith.shrui %parallel_loop3A_15, %parallel_loop3A_23 : vector<16xi32>
      %parallel_loop3A_25 = arith.constant 127 : i32
      %parallel_loop3A_26 = vector.broadcast %parallel_loop3A_25 : i32 to vector<16xi32>
      %parallel_loop3A_27 = arith.andi %parallel_loop3A_24, %parallel_loop3A_26 : vector<16xi32>
      %parallel_loop3A_28 = arith.ori %parallel_loop3A_21, %parallel_loop3A_27 : vector<16xi32>
      %parallel_loop3A_29 = tpu.vector_load_idx %arg4[%parallel_loop3A_28] : memref<1024xf32, #tpu.memory_space<vmem>>[vector<16xi32>], vector<16xf32>,
      %parallel_loop3A_30 = arith.constant 128 : i32
      %parallel_loop3A_31 = vector.broadcast %parallel_loop3A_30 : i32 to vector<16xi32>
      %parallel_loop3A_32 = arith.ori %parallel_loop3A_28, %parallel_loop3A_31 : vector<16xi32>
      %parallel_loop3A_33 = tpu.vector_load_idx %arg4[%parallel_loop3A_32] : memref<1024xf32, #tpu.memory_space<vmem>>[vector<16xi32>], vector<16xf32>,
      %parallel_loop3A_34 = arith.constant 32768 : i32
      %parallel_loop3A_35 = vector.broadcast %parallel_loop3A_34 : i32 to vector<16xi32>
      %parallel_loop3A_36 = arith.andi %parallel_loop3A_15, %parallel_loop3A_35 : vector<16xi32>
      %parallel_loop3A_37 = arith.constant 16 : i32
      %parallel_loop3A_38 = vector.broadcast %parallel_loop3A_37 : i32 to vector<16xi32>
      %parallel_loop3A_39 = arith.shli %parallel_loop3A_36, %parallel_loop3A_38 : vector<16xi32>
      %parallel_loop3A_40 = vector.bitcast %parallel_loop3A_29 : vector<16xf32> to vector<16xi32>
      %parallel_loop3A_41 = arith.xori %parallel_loop3A_40, %parallel_loop3A_39 : vector<16xi32>
      %parallel_loop3A_42 = vector.bitcast %parallel_loop3A_41 : vector<16xi32> to vector<16xf32>
      %parallel_loop3A_43 = arith.constant 7 : i32
      %parallel_loop3A_44 = arith.shrui %parallel_loop3A_7, %parallel_loop3A_43 : i32
      %parallel_loop3A_45 = arith.constant 8 : i32
      %parallel_loop3A_46 = arith.shli %parallel_loop3A_44, %parallel_loop3A_45 : i32
      %parallel_loop3A_47 = arith.constant 127 : i32
      %parallel_loop3A_48 = arith.andi %parallel_loop3A_7, %parallel_loop3A_47 : i32
      %parallel_loop3A_49 = arith.ori %parallel_loop3A_46, %parallel_loop3A_48 : i32
      %parallel_loop3A_50 = arith.index_cast %parallel_loop3A_49 : i32 to index
      %parallel_loop3A_51 = tpu.vector_load %arg5[%parallel_loop3A_50] {strides = array<i32>} : memref<4096xf32, #tpu.memory_space<vmem>>, vector<16xf32>,
      tpu.vector_store %arg5[%parallel_loop3A_50], %parallel_loop3A_42 {strides = array<i32>} : memref<4096xf32, #tpu.memory_space<vmem>>, vector<16xf32>,
      %parallel_loop3A_52 = arith.constant 128 : i32
      %parallel_loop3A_53 = arith.addi %parallel_loop3A_49, %parallel_loop3A_52 : i32
      %parallel_loop3A_54 = arith.index_cast %parallel_loop3A_53 : i32 to index
      %parallel_loop3A_55 = tpu.vector_load %arg5[%parallel_loop3A_54] {strides = array<i32>} : memref<4096xf32, #tpu.memory_space<vmem>>, vector<16xf32>,
      tpu.vector_store %arg5[%parallel_loop3A_54], %parallel_loop3A_33 {strides = array<i32>} : memref<4096xf32, #tpu.memory_space<vmem>>, vector<16xf32>,
    } {sc.loop_unroll_factor = 4 : i64, sc.parallel_access}
    %mul3A_5 = arith.constant 2 : i32
    %mul3A_6 = arith.muli %mul3A_2, %mul3A_5 : i32
    "tpu.region"() ({
      %run_scoped3A = tpu.sem_alloc : memref<!tpu.dma_semaphore, #tpu.memory_space<semaphore_mem>>
      %dma_start3A = tpu.memref_slice %arg3[%mul3A_6] : memref<131072xf32, #tpu.memory_space<hbm>> -> memref<4096xf32, #tpu.memory_space<hbm>>
      %dma_start3A_7 = tpu.memref_slice %arg3[%mul3A_6] : memref<131072xf32, #tpu.memory_space<hbm>> -> memref<4096xf32, #tpu.memory_space<hbm>>
      tpu.enqueue_dma source(%arg5 : memref<4096xf32, #tpu.memory_space<vmem>>) target(%dma_start3A_7 : memref<4096xf32, #tpu.memory_space<hbm>>) target_semaphore(%run_scoped3A : memref<!tpu.dma_semaphore, #tpu.memory_space<semaphore_mem>>)
      %dma_wait3A = tpu.memref_slice %arg3[%mul3A_6] : memref<131072xf32, #tpu.memory_space<hbm>> -> memref<4096xf32, #tpu.memory_space<hbm>>
      %dma_wait3A_8 = tpu.memref_slice %arg3[%mul3A_6] : memref<131072xf32, #tpu.memory_space<hbm>> -> memref<4096xf32, #tpu.memory_space<hbm>>
      tpu.wait_dma2 semaphore(%run_scoped3A : memref<!tpu.dma_semaphore, #tpu.memory_space<semaphore_mem>>) src(%arg5 : memref<4096xf32, #tpu.memory_space<vmem>>) dst(%dma_wait3A_8 : memref<4096xf32, #tpu.memory_space<hbm>>)
      tpu.yield
    }) : () -> ()
    return
  }
}

</mosaic_0001>

<sc_bundles>
// kernel: kernel.3.cloned.1.call-start
scs
__scs_entry_jumppad:
0x0: {  	(pc) =	sbr.rel $0x88, $3  }
0x1: {  	(tag) =	ssettag $0x0;
	lr =	simm.s32 $0x1  }
0x2: {  	[smem:$0x3FA0] =	sst lr;
	_ =	strace $0xD0000000  }
0x3: {  	_ = 	snop  }
0x4: {  	_ = 	snop  }
0x5: {  	_ = 	snop  }
0x6: {  	_ = 	snop  }
0x7: {  	_ = 	snop  }
__scs_overlays_trampoline_lowered:
0x8: {  	[smem:$0x3FAF] =	sst s0  }
0x9: {  	[smem:$0x3FB0] =	sst s1  }
0xa: {  	[smem:$0x3FB1] =	sst s2  }
0xb: {  	[smem:$0x3FB2] =	sst s3  }
0xc: {  	[smem:$0x3FB3] =	sst s4  }
0xd: {  	[smem:$0x3FB4] =	sst s5  }
0xe: {  	[smem:$0x3FB5] =	sst s6  }
0xf: {  	[smem:$0x3FB6] =	sst s7  }
0x10: {  	[smem:$0x3FB7] =	sst s8  }
0x11: {  	[smem:$0x3FB8] =	sst s9;
	s0 =	simm.s32 @!p0 $0x0  }
0x12: {  	s1 =	sld [smem:$0x3F9E];
	s0 =	simm.s32 @p0 $0x1  }
0x13: {  	[smem:$0x3FB9] =	sst s0;
	s0 =	simm.s32 @!p1 $0x0  }
0x14: {  	s2 =	sld [smem:$0x3F9D];
	s0 =	simm.s32 @p1 $0x1  }
0x15: {  	[smem:$0x3FBA] =	sst s0;
	s0 =	simm.s32 @!p2 $0x0  }
0x16: {  	s3 =	sld [smem:$0x3FDB];
	s0 =	simm.s32 @p2 $0x1  }
0x17: {  	s4 =	simm.s32 $0x1BF5;
	[smem:$0x3FBC] =	sst s0  }
0x18: {  	s0 =	sld [smem:$0x3F9F];
	_ =	swait.ge [sflag:s4], $0x0  }
0x19: {  	s7 =	sld [smem:$0x3FA0]  }
0x1a: {  	s8 =	sadd.s32 $0xFFFFE003, lr  }
0x1b: {  	s9 =	sadd.s32 $0xFFFFFEF7, lr;
	s5 =	simm.s32 $0xFFFFFFFF;
	p2 =	slt.u32 s8, $0xFFFFF086  }
0x1c: {  	p1 =	slt.u32 s9, $0xF7A;
	s5 =	simm.s32 @!p2 $0x0  }
0x1d: {  	s5 =	simm.s32 @p1 $0x1;
	p0 =	seq.s32 s7, s2  }
0x1e: {  	s7 =	smul.u32 @!p0 $0xF7A, s2;
	p2 =	seq.s32 @!p0 s5, $0x0  }
0x1f: {  	s9 =	smul.u32 $0xF7A, s1;
	s8 =	simm.s32 @!p0 $0x1BF5;
	p2 =	por !p2, p0  }
0x20: {  	[sflag:s8] =	ssyncset.s32 @!p0 $0xFFFFF086;
	s6 =	sadd.s32 @!p0 s3, s7;
	s7 =	simm.s32 @!p0 $0x108  }
0x21: {  	s3 =	sadd.s32 s3, s9;
	s6 =	sadd.s32 @!p0 $0x88, s6;
	s7 =	simm.s32 @p2 $0x1082  }
0x22: {  	[simem:s7], [sflag:s8] =	dma.local @!p0 [hbm:s6], $0xF7A  }
0x23: {  	s9 =	sor.u32 $0xD0000000, s2;
	s6 =	simm.s32 $0x108;
	_ =	swait.ge @!p0 [sflag:s8], $0x0  }
0x24: {  	s3 =	sadd.s32 $0x88, s3;
	s6 =	simm.s32 @!p1 $0x1082;
	[sflag:s4] =	ssyncset.s32 $0xFFFFF086  }
0x25: {  	[simem:s6], [sflag:s4] =	dma.local [hbm:s3], $0xF7A  }
0x26: {  	[smem:$0x3FA0] =	sst s1;
	(tag) =	ssettag s2;
	_ =	strace s9  }
0x27: {  	s1 =	sld [smem:$0x3FB0]  }
0x28: {  	s2 =	sld [smem:$0x3FB1]  }
0x29: {  	s4 =	sld [smem:$0x3FB3]  }
0x2a: {  	p0 =	seq.s32 s5, $0x0;
	s5 =	sld [smem:$0x3FB4]  }
0x2b: {  	s6 =	sld [smem:$0x3FB5]  }
0x2c: {  	s7 =	sld [smem:$0x3FB6]  }
0x2d: {  	s3 =	simm.s32 $0x108;
	s8 =	sld [smem:$0x3FB7]  }
0x2e: {  	s3 =	simm.s32 @!p0 $0x1082;
	s9 =	sld [smem:$0x3FB8]  }
0x2f: {  	lr =	sadd.s32 s0, s3;
	s0 =	sld [smem:$0x3FAF]  }
0x30: {  	s3 =	sld [smem:$0x3FB2]  }
0x31: {  	[smem:$0x3FBB] =	sst s10  }
0x32: {  	s10 =	sld [smem:$0x3FB9];
	_ =	sdelay $0x3  }
0x33: {  	p0 =	seq.s32 s10, $0x1;
	s10 =	sld [smem:$0x3FBB];
	_ =	sdelay $0x3  }
0x34: {  	[smem:$0x3FBB] =	sst s10  }
0x35: {  	s10 =	sld [smem:$0x3FBA];
	_ =	sdelay $0x3  }
0x36: {  	p1 =	seq.s32 s10, $0x1;
	s10 =	sld [smem:$0x3FBB];
	_ =	sdelay $0x3  }
0x37: {  	[smem:$0x3FBB] =	sst s10  }
0x38: {  	s10 =	sld [smem:$0x3FBC]  }
0x39: {  	_ = 	snop;
	(pc) =	sbr.ind lr, $3  }
0x3a: {  	_ = 	snop  }
0x3b: {  	_ = 	snop  }
0x3c: {  	p2 =	seq.s32 s10, $0x1;
	s10 =	sld [smem:$0x3FBB]  }
0x3d: {  	_ =	shalt  }
0x3e: {  	_ =	shalt  }
0x3f: {  	_ =	shalt  }
0x40: {  	_ =	shalt  }
0x41: {  	_ =	shalt  }
0x42: {  	_ =	shalt  }
0x43: {  	_ =	shalt  }
0x44: {  	_ =	shalt  }
0x45: {  	_ =	shalt  }
0x46: {  	_ =	shalt  }
0x47: {  	_ =	shalt  }
0x48: {  	_ =	shalt  }
0x49: {  	_ =	shalt  }
0x4a: {  	_ =	shalt  }
0x4b: {  	_ =	shalt  }
0x4c: {  	_ =	shalt  }
0x4d: {  	_ =	shalt  }
0x4e: {  	_ =	shalt  }
0x4f: {  	_ =	shalt  }
0x50: {  	_ =	shalt  }
0x51: {  	_ =	shalt  }
0x52: {  	_ =	shalt  }
0x53: {  	_ =	shalt  }
0x54: {  	_ =	shalt  }
0x55: {  	_ =	shalt  }
0x56: {  	_ =	shalt  }
0x57: {  	_ =	shalt  }
0x58: {  	_ =	shalt  }
0x59: {  	_ =	shalt  }
0x5a: {  	_ =	shalt  }
0x5b: {  	_ =	shalt  }
0x5c: {  	_ =	shalt  }
0x5d: {  	_ =	shalt  }
0x5e: {  	_ =	shalt  }
0x5f: {  	_ =	shalt  }
0x60: {  	_ =	shalt  }
0x61: {  	_ =	shalt  }
0x62: {  	_ =	shalt  }
0x63: {  	_ =	shalt  }
0x64: {  	_ =	shalt  }
0x65: {  	_ =	shalt  }
0x66: {  	_ =	shalt  }
0x67: {  	_ =	shalt  }
0x68: {  	_ =	shalt  }
0x69: {  	_ =	shalt  }
0x6a: {  	_ =	shalt  }
0x6b: {  	_ =	shalt  }
0x6c: {  	_ =	shalt  }
0x6d: {  	_ =	shalt  }
0x6e: {  	_ =	shalt  }
0x6f: {  	_ =	shalt  }
0x70: {  	_ =	shalt  }
0x71: {  	_ =	shalt  }
0x72: {  	_ =	shalt  }
0x73: {  	_ =	shalt  }
0x74: {  	_ =	shalt  }
0x75: {  	_ =	shalt  }
0x76: {  	_ =	shalt  }
0x77: {  	_ =	shalt  }
0x78: {  	_ =	shalt  }
0x79: {  	_ =	shalt  }
0x7a: {  	_ =	shalt  }
0x7b: {  	_ =	shalt  }
0x7c: {  	_ =	shalt  }
0x7d: {  	_ =	shalt  }
0x7e: {  	_ =	shalt  }
0x7f: {  	_ =	shalt  }
0x80: {  	_ =	shalt  }
0x81: {  	_ =	shalt  }
0x82: {  	_ =	shalt  }
0x83: {  	_ =	shalt  }
0x84: {  	_ =	shalt  }
0x85: {  	_ =	shalt  }
0x86: {  	_ =	shalt  }
0x87: {  	_ =	shalt  }
.Lfunc_end0:
.L_simem_size_0:
called_computation_lowered:
.L_overlay_start_0:
0x88: {  	s2 =	sld [smem:$0x3FD9]  }
0x89: {  	s3 =	sld [smem:$0x3FFE];
	_ =	sdelay $0x1  }
0x8a: {  	s1 =	srdreg.scid  }
0x8b: {  	s0 =	sand.u32 $0x1, s1  }
0x8c: {  	s18 =	sshll.u32 s0, $0xA;
	s2 =	sadd.s32 s3, s2  }
0x8d: {  	s2 =	sadd.s32 s2, s18  }
0x8e: {  	[smem:$0x3FC7] =	sst s2  }
0x8f: {  	_ = 	snop  }
0x90: {  	s2 =	sld [smem:$0x3FC9]  }
0x91: {  	s19 =	sld [smem:$0x3FD0];
	(tm) =	ssettm $0x1  }
0x92: {  	s4 =	sld [smem:$0x3FFB];
	_ =	sdelay $0x3  }
0x93: {  	_ =	strace s4  }
0x94: {  	s4 =	sld [smem:$0x3FFC];
	_ =	sdelay $0x3  }
0x95: {  	_ =	strace s4  }
0x96: {  	s4 =	sld [smem:$0x3FFD];
	_ =	sdelay $0x3  }
0x97: {  	_ =	strace s4  }
0x98: {  	_ =	strace $0x8FFFFFFF  }
0x99: {  	s20 =	sld [smem:$0x3FDB];
	_ =	sdelay $0x1  }
0x9a: {  	s5 =	simm.s32 $_scs_section_size  }
0x9b: {  	s6 =	simm.s32 $_size__tile_overlayer_lowered;
	s7 =	simm.s32 $_tile_overlayer_lowered  }
0x9c: {  	s23 =	simm.s32 $0x1BFF;
	s22 =	sshll.u32 s7, $0x1;
	s4 =	sadd.s32 s5, s20  }
0x9d: {  	s8 =	simm.s32 $0x0;
	s21 =	sshll.u32 s6, $0x1;
	s6 =	sadd.s32 s22, s4  }
0x9e: {  	[timem:s8], [sflag:s23] =	dma.local [hbm:s6], s21  }
0x9f: {  	_ =	swait.ge [sflag:s23], s21  }
0xa0: {  	s5 =	ssub.s32 $0x0, s21;
	[sflag:s23] =	ssyncset.done $0x0  }
0xa1: {  	[sflag:s23] =	ssyncadd.s32 s5;
	_ =	sdelay $0x1  }
0xa2: {  	s24 =	simm.s32 $0x1B8B  }
0xa3: {  	_ =	swait.ge [sflag:s24], $0x1  }
0xa4: {  	[sflag:s24] =	ssyncset.done $0x0  }
0xa5: {  	s25 =	simm.s32 $0x1B8E;
	[sflag:s24] =	ssyncadd.s32 $0xFFFFFFFF  }
0xa6: {  	s26 =	simm.s32 $execute0_lowered;
	[smem:$0x3FD2] =	sst s25  }
0xa7: {  	s5 =	sshll.u32 s26, $0x1;
	_ =	strace $0x80000046;
	[dreg:$0x1] =	wrdreg $0xFFFFFFFF  }
0xa8: {  	s28 =	simm.s32 $_size_execute0_lowered;
	s4 =	sadd.s32 s4, s5;
	[dreg:$0x0] =	wrdreg $0x0  }
0xa9: {  	s5 =	sshll.u32 s28, $0x1;
	[dreg:$0x2] =	wrdreg s4  }
0xaa: {  	[dreg:$0x3] =	wrdreg s5  }
0xab: {  	[dreg:$0x4] =	wrdreg $0xC0  }
0xac: {  	_ =	task [dreg:s8], $0x5FFFF  }
0xad: {  	[dreg:$0x1] =	wrdreg $0xFFFFFFFF  }
0xae: {  	[dreg:$0x0] =	wrdreg $0x60  }
0xaf: {  	[dreg:$0x2] =	wrdreg s2  }
0xb0: {  	[dreg:$0x3] =	wrdreg s19  }
0xb1: {  	[dreg:$0x4] =	wrdreg $0x9  }
0xb2: {  	_ =	task.clear_ibuf [dreg:s8], $0x5FFFF;
	_ =	strace $0x90000046  }
0xb3: {  	s29 =	simm.s32 $0x9;
	_ =	strace $0x80000048  }
0xb4: {  	_ =	swait.ge [sflag:s29], $0x1  }
0xb5: {  	[sflag:s29] =	ssyncadd.s32 $0xFFFFFFFF  }
0xb6: {  	_ =	strace $0x90000048  }
0xb7: {  	_ =	sfence  }
0xb8: {  	s30 =	sld [smem:$0x0];
	_ =	sdelay $0x2  }
0xb9: {  	s31 =	sshll.u32 s1, $0xD;
	s1 =	sshrl.u32 s1, $0x2  }
0xba: {  	s3 =	sand.u32 $0x4000, s31;
	s1 =	sadd.s32 s1, s30  }
0xbb: {  	s0 =	sor.u32 s3, s0;
	s1 =	sshll.u32 s1, $0x11  }
0xbc: {  	s0 =	sor.u32 s1, s0  }
0xbd: {  	s0 =	sadd.s32 $0x8F2B, s0  }
0xbe: {  	[sflag:s0] =	ssyncadd.remote.s32 $0x1  }
0xbf: {  	_ =	sfence.sel $0xFFFF  }
0xc0: {  	[dreg:$0x0] =	wrdreg $0xFFFFFFFF;
	(pc) =	sbr.abs _section_cstart, $3  }
0xc1: {  	[dreg:$0x1] =	wrdreg $0xFFFFFFFF  }
0xc2: {  	_ =	task.clear_ibuf [dreg:s8], $0x2FFFF;
	_ =	strace $0x9FFFFFFF  }
0xc3: {  	(tm) =	ssettm $0x7FFFFFFF  }
tec
execute0_lowered:
.L_overlay_start_1:
0x0: {  	(tag) =	ssettag $0x1  }
0x1: {  	s2 =	rddreg [dreg:$0x0]  }
0x2: {  	s5 =	rddreg [dreg:$0x1];
	s3 =	srdreg.scid  }
0x3: {  	s0 =	rddreg [dreg:$0x2];
	s1 =	stileid.u32;
	s9 =	simm.s32 $0x0  }
0x4: {  	s4 =	sand.u32 $0x1, s3;
	s3 =	simm.s32 $0x0;
	s7 =	sshll.u32 s1, $0x1  }
0x5: {  	s6 =	ssub.s32 $0x2, s4;
	[smem:$0x7FF] =	sst s3;
	s4 =	sor.u32 s4, s7  }
0x6: {  	s8 =	sshrl.u32 s6, $0x1;
	_ =	strace $0x80000047;
	s7 =	sshll.u32 s4, $0x9  }
0x7: {  	v0 =	vlaneseq.u32;
	s4 =	sshll.u32 s4, $0xB;
	s6 =	ssub.s32 s6, s8;
	s5 =	sadd.s32 s5, s7  }
0x8: {  	v1 =	vadd.s32 $0x1, v0;
	s7 =	simm.s32 $0x1;
	s8 =	simm.s32 $0x400;
	s6 =	smax.u32 s6, $0x1  }
.LBB2_1:
0x9: {  	s24 =	simm.s32 $0x20;
	s11 =	simm.s32 $0x10  }
0xa: {  	s12 =	simm.s32 $0x0;
	s10 =	sor.u32 s4, s24;
	s29 =	sor.u32 s4, s11  }
0xb: {  	s13 =	simm.s32 $0x30;
	s14 =	sor.u32 s4, s12;
	v2 =	vor.u32 s10, v0;
	v3 =	vor.u32 s10, v1;
	v4 =	vadd.s32 s29, v1  }
0xc: {  	s30 =	sor.u32 s4, s13;
	v7 =	vor.u32 s14, v0;
	v8 =	vor.u32 s14, v1;
	v2 =	vmul.u32 v2, v3  }
0xd: {  	v10 =	vadd.s32 s30, v1;
	v3 =	vor.u32 s29, v0;
	v9 =	vmul.u32 v7, v8  }
0xe: {  	v7 =	vmul.u32 v3, v4;
	v5 =	vshrl.u32 v2, $0x5;
	v6 =	vshrl.u32 v2, $0x6  }
0xf: {  	v4 =	vshrl.u32 v9, $0x5;
	v5 =	vand.u32 $0x300, v5;
	v6 =	vand.u32 $0x7F, v6  }
0x10: {  	[tilespmem:s3], [sflag:$0x1] =	stream.linear.gather [hbm4b:s2+s3], $0x400, $0x38;
	v8 =	vshrl.u32 v9, $0x6;
	v6 =	vor.u32 v6, v5;
	v5 =	vor.u32 s30, v0;
	[tilespmem:$0x1400] =	vst v63  }
0x11: {  	p0 =	por $0x0, $0x0;
	p1 =	por $0x1, $0x1;
	v11 =	vshrl.u32 v7, $0x6;
	v5 =	vmul.u32 v5, v10;
	v3 =	vor.u32 $0x80, v6  }
.Ltmp0:
0x12: {  	s31 =	sand.u32 $0x7, s3;
	_ =	swait.ge [sflag:s7], $0x400;
	v4 =	vand.u32 $0x300, v4;
	v8 =	vand.u32 $0x7F, v8;
	v11 =	vand.u32 $0x7F, v11;
	(pc) =	sbr.rel @!p1 .LBB2_2-.Ltmp0, $4  }
0x13: {  	s26 =	sand.u32 $0x3, s3;
	s25 =	sand.u32 $0xF00, s3;
	[sflag:s7] =	ssyncset.done $0x0;
	v10 =	vshrl.u32 v7, $0x5;
	v12 =	vshrl.u32 v5, $0x5;
	v13 =	vshrl.u32 v5, $0x6  }
0x14: {  	s23 =	sand.u32 $0x40, s12;
	s10 =	simm.s32 $0x1;
	[sflag:s7] =	ssyncadd.s32 $0xFFFFFC00;
	v10 =	vand.u32 $0x300, v10;
	v12 =	vand.u32 $0x300, v12;
	v13 =	vand.u32 $0x7F, v13  }
0x15: {  	s22 =	sand.u32 $0x50, s11;
	s21 =	sand.u32 $0x70, s13;
	s10 =	simm.s32 @!p0 $0x0;
	v19 =	vor.u32 v8, v4;
	v17 =	vor.u32 v11, v10;
	v18 =	vld.idx.msk [tilespmem:v6+s3+$0x0], $0xffff;
	v14 =	vor.u32 v13, v12  }
0x16: {  	s19 =	sshll.u32 s31, $0x4;
	s15 =	sshll.u32 s10, $0x6;
	s10 =	simm.s32 $0x70;
	v16 =	vor.u32 $0x80, v19;
	v10 =	vor.u32 $0x80, v17;
	v15 =	vld.idx.msk [tilespmem:v3+s3+$0x0], $0xffff;
	v8 =	vor.u32 $0x80, v14  }
0x17: {  	v3 =	vshll.u32 v9, $0x10  }
0x18: {  	s20 =	simm.s32 $0x60;
	v4 =	vshll.u32 v7, $0x10;
	v2 =	vshll.u32 v2, $0x10;
	v5 =	vshll.u32 v5, $0x10  }
0x19: {  	s30 =	sor.u32 s4, s10;
	s11 =	sor.u32 s4, s20;
	v11 =	vand.u32 $0x80000000, v3;
	v2 =	vand.u32 $0x80000000, v2;
	v4 =	vand.u32 $0x80000000, v4  }
0x1a: {  	s12 =	simm.s32 $0x50;
	s28 =	sshll.u32 s26, $0x5;
	s16 =	simm.s32 $0x40;
	v21 =	vor.u32 s30, v0;
	v3 =	vor.u32 s11, v0;
	v6 =	vor.u32 s11, v1  }
0x1b: {  	s25 =	sadd.s32 $0x400, s25;
	v13 =	vld.idx.msk [tilespmem:v19+s3+$0x0], $0xffff;
	s13 =	sor.u32 s4, s12;
	s29 =	sor.u32 s4, s16;
	v22 =	vadd.s32 s30, v1;
	v12 =	vxor.u32 v18, v2;
	v2 =	vmul.u32 v3, v6  }
0x1c: {  	s14 =	sand.u32 $0x60, s24;
	s17 =	sadd.s32 $0x0, s19;
	s15 =	sadd.s32 $0x0, s15;
	v19 =	vor.u32 s29, v1;
	v3 =	vand.u32 $0x80000000, v5;
	v5 =	vor.u32 s13, v0  }
0x1d: {  	s18 =	sand.u32 $0x70, s10;
	p1 =	por !p0, !p0;
	p2 =	por $0x1, $0x1;
	v6 =	vadd.s32 s13, v1;
	v7 =	vshrl.u32 v2, $0x5;
	v9 =	vshrl.u32 v2, $0x6  }
0x1e: {  	p0 =	por $0x1, $0x1;
	s24 =	sor.u32 s14, s25;
	s26 =	sadd.s32 $0x10, s17;
	v18 =	vor.u32 s29, v0;
	v7 =	vand.u32 $0x300, v7;
	v9 =	vand.u32 $0x7F, v9  }
0x1f: {  	v16 =	vld.idx.msk [tilespmem:v16+s3+$0x0], $0xffff;
	s16 =	sand.u32 $0x40, s16;
	s30 =	sor.u32 s23, s25;
	s11 =	sadd.s32 $0x0, s28;
	v20 =	vor.u32 v9, v7;
	v9 =	vmul.u32 v18, v19;
	v7 =	vmul.u32 v5, v6  }
0x20: {  	s14 =	sor.u32 s22, s25;
	s22 =	simm.s32 $0x2;
	s11 =	sadd.s32 $0x20, s11;
	[tilespmem:s24+$0x0] =	vst v12;
	v12 =	vld.idx.msk [tilespmem:v14+s3+$0x0], $0xffff;
	v13 =	vxor.u32 v13, v11;
	v5 =	vmul.u32 v21, v22;
	v62 =	vor.u32 $0x80, v20  }
0x21: {  	s23 =	simm.s32 $0xB0;
	s28 =	sor.u32 $0x80, s15;
	s31 =	sor.u32 $0x80, s11;
	v6 =	vld.idx.msk [tilespmem:v17+s3+$0x0], $0xffff;
	v17 =	vshrl.u32 v9, $0x5;
	v18 =	vshrl.u32 v9, $0x6;
	v19 =	vshrl.u32 v7, $0x5  }
.Ltmp1:
0x22: {  	s15 =	simm.s32 $0x1;
	s29 =	sadd.s32 $0x30, s17;
	[tilespmem:s31+$0x400] =	vst v15;
	v11 =	vld.idx.msk [tilespmem:v10+s3+$0x0], $0xffff;
	v14 =	vshrl.u32 v7, $0x6;
	v22 =	vshrl.u32 v5, $0x5;
	v23 =	vshrl.u32 v5, $0x6;
	(pc) =	sbr.rel @!p2 .LBB2_4-.Ltmp1, $4  }
0x23: {  	s17 =	sand.u32 $0x50, s12;
	s12 =	sor.u32 s21, s25;
	s15 =	simm.s32 @!p1 $0x0;
	[tilespmem:s30+$0x0] =	vst v13;
	v13 =	vld.idx.msk [tilespmem:v8+s3+$0x0], $0xffff;
	v10 =	vand.u32 $0x300, v17;
	v15 =	vand.u32 $0x7F, v18;
	v17 =	vand.u32 $0x300, v19  }
0x24: {  	s21 =	simm.s32 $0x4;
	s13 =	simm.s32 $0x80;
	s11 =	sor.u32 $0x80, s26;
	v8 =	vand.u32 $0x7F, v14;
	v14 =	vand.u32 $0x300, v22;
	v63 =	vand.u32 $0x7F, v23;
	v18 =	vld.idx.msk [tilespmem:v20+s3+$0x0], $0xffff  }
0x25: {  	s10 =	sor.u32 $0x80, s29;
	s15 =	sshll.u32 s15, $0x6;
	s31 =	sand.u32 $0x7, s21;
	v19 =	vor.u32 v15, v10;
	v17 =	vor.u32 v8, v17;
	v14 =	vor.u32 v63, v14  }
0x26: {  	s26 =	sand.u32 $0x3, s22;
	s25 =	sand.u32 $0xF00, s13;
	s19 =	sshll.u32 s31, $0x4;
	[tilespmem:s28+$0x400] =	vst v16;
	v16 =	vor.u32 $0x80, v19;
	v10 =	vor.u32 $0x80, v17;
	v8 =	vor.u32 $0x80, v14;
	v15 =	vld.idx.msk [tilespmem:v62+s3+$0x0], $0xffff  }
.LBB2_5:
0x27: {  	s24 =	sadd.s32 $0xFFFFFFF0, s23;
	s26 =	sshll.u32 s26, $0x5;
	v9 =	vshll.u32 v9, $0x10;
	s25 =	sadd.s32 $0x400, s25;
	v7 =	vshll.u32 v7, $0x10;
	v2 =	vshll.u32 v2, $0x10  }
0x28: {  	s20 =	sand.u32 $0x60, s20;
	v5 =	vshll.u32 v5, $0x10;
	s28 =	sor.u32 s4, s24;
	s26 =	sadd.s32 s13, s26;
	v20 =	vand.u32 $0x80000000, v9;
	v2 =	vand.u32 $0x80000000, v2  }
0x29: {  	s29 =	sadd.s32 $0xFFFFFFE0, s23;
	s20 =	sor.u32 s20, s25;
	v9 =	vor.u32 s28, v0;
	v21 =	vor.u32 s28, v1;
	v18 =	vxor.u32 v18, v2;
	s26 =	sadd.s32 $0x20, s26  }
0x2a: {  	s30 =	sor.u32 s4, s29;
	v7 =	vand.u32 $0x80000000, v7;
	s28 =	sadd.s32 $0xFFFFFFD0, s23;
	v2 =	vmul.u32 v9, v21;
	v19 =	vld.idx.msk [tilespmem:v19+s3+$0x0], $0xffff;
	[tilespmem:s20+$0x0] =	vst v18;
	s20 =	sor.u32 $0x80, s26;
	v18 =	vand.u32 $0x80000000, v5  }
0x2b: {  	s19 =	sadd.s32 s13, s19;
	s26 =	sor.u32 s4, s28;
	v5 =	vor.u32 s30, v0;
	v21 =	vadd.s32 s30, v1;
	s30 =	sor.u32 s4, s23;
	v9 =	vxor.u32 v6, v4;
	v4 =	vmovc v7;
	[tilespmem:s20+$0x400] =	vst v15;
	v6 =	vld.idx.msk [tilespmem:v17+s3+$0x0], $0xffff  }
0x2c: {  	s15 =	sadd.s32 s15, s13;
	v7 =	vor.u32 s26, v0;
	s20 =	sadd.s32 $0x10, s19;
	s19 =	sadd.s32 $0x30, s19;
	v15 =	vshrl.u32 v2, $0x5;
	v17 =	vshrl.u32 v2, $0x6;
	v14 =	vld.idx.msk [tilespmem:v14+s3+$0x0], $0xffff;
	[tilespmem:s14+$0x0] =	vst v9  }
0x2d: {  	s31 =	sand.u32 $0x70, s23;
	s29 =	sand.u32 $0x50, s29;
	v9 =	vor.u32 s26, v1;
	s26 =	sand.u32 $0x40, s28;
	v15 =	vand.u32 $0x300, v15;
	v17 =	vand.u32 $0x7F, v17;
	v16 =	vld.idx.msk [tilespmem:v16+s3+$0x0], $0xffff;
	[tilespmem:s11+$0x400] =	vst v11  }
0x2e: {  	s15 =	sor.u32 $0x80, s15;
	v22 =	vadd.s32 s30, v1;
	s19 =	sor.u32 $0x80, s19;
	s11 =	sor.u32 $0x80, s20;
	v15 =	vor.u32 v17, v15;
	v17 =	vor.u32 s30, v0;
	v11 =	vld.idx.msk [tilespmem:v10+s3+$0x0], $0xffff  }
0x2f: {  	s14 =	sor.u32 s17, s25;
	v9 =	vmul.u32 v7, v9;
	v7 =	vmul.u32 v5, v21;
	s30 =	sor.u32 s16, s25;
	s25 =	sor.u32 s18, s25;
	v5 =	vmul.u32 v17, v22;
	v21 =	vld.idx.msk [tilespmem:v8+s3+$0x0], $0xffff  }
0x30: {  	v23 =	vxor.u32 v12, v3;
	p2 =	slt.u32 s28, $0x7C0;
	v3 =	vmovc v18;
	s20 =	smov.u32 s24;
	s16 =	smov.u32 s26;
	v8 =	vor.u32 $0x80, v15;
	v10 =	vxor.u32 v19, v20  }
0x31: {  	p1 =	por !p1, !p1;
	s17 =	smov.u32 s29;
	s18 =	smov.u32 s31;
	v17 =	vshrl.u32 v9, $0x5;
	v18 =	vshrl.u32 v9, $0x6;
	v19 =	vshrl.u32 v7, $0x5;
	[tilespmem:s30+$0x0] =	vst v10  }
.Ltmp2:
0x32: {  	s24 =	simm.s32 $0x1;
	v10 =	vshrl.u32 v7, $0x6;
	v20 =	vshrl.u32 v5, $0x5;
	v22 =	vshrl.u32 v5, $0x6;
	v12 =	vmovc v14;
	[tilespmem:s12+$0x0] =	vst v23;
	s12 =	smov.u32 s25;
	(pc) =	sbr.rel @p2 .LBB2_5-.Ltmp2, $4  }
0x33: {  	s21 =	sadd.s32 $0x4, s21;
	s24 =	simm.s32 @!p1 $0x0;
	v14 =	vand.u32 $0x300, v17;
	v17 =	vand.u32 $0x7F, v18;
	v23 =	vand.u32 $0x300, v19;
	v18 =	vld.idx.msk [tilespmem:v15+s3+$0x0], $0xffff;
	[tilespmem:s15+$0x400] =	vst v16  }
0x34: {  	s25 =	sand.u32 $0x7, s21;
	v10 =	vand.u32 $0x7F, v10;
	s15 =	sshll.u32 s24, $0x6;
	v16 =	vand.u32 $0x300, v20;
	v20 =	vand.u32 $0x7F, v22;
	[tilespmem:s10+$0x400] =	vst v13;
	s10 =	smov.u32 s19  }
0x35: {  	s22 =	sadd.s32 $0x2, s22;
	s13 =	sadd.s32 $0x80, s13;
	v19 =	vor.u32 v17, v14;
	v17 =	vor.u32 v10, v23;
	s19 =	sshll.u32 s25, $0x4;
	v14 =	vor.u32 v20, v16;
	v15 =	vld.idx.msk [tilespmem:v8+s3+$0x0], $0xffff  }
0x36: {  	s23 =	sadd.s32 $0x40, s23;
	s26 =	sand.u32 $0x3, s22;
	v16 =	vor.u32 $0x80, v19;
	s25 =	sand.u32 $0xF00, s13;
	v10 =	vor.u32 $0x80, v17;
	v13 =	vmovc v21;
	v8 =	vor.u32 $0x80, v14  }
0x37: {  	s24 =	smov.u32 s20  }
0x38: {  	s23 =	smov.u32 s16;
	s22 =	smov.u32 s17;
	s21 =	smov.u32 s18  }
.LBB2_7:
0x39: {  	_ =	sdelay $0x3  }
0x3a: {  	v2 =	vshll.u32 v2, $0x10;
	v19 =	vld.idx.msk [tilespmem:v19+s3+$0x0], $0xffff;
	v4 =	vxor.u32 @p0 v6, v4  }
0x3b: {  	s17 =	sadd.s32 $0x400, s25;
	s18 =	sand.u32 $0x60, s24;
	v3 =	vxor.u32 @p0 v12, v3;
	v2 =	vand.u32 $0x80000000, v2;
	[tilespmem:s14+$0x0] =	vst @p0 v4  }
0x3c: {  	v61 =	vld.idx.msk [tilespmem:v16+s3+$0x0], $0xffff;
	s18 =	sor.u32 s18, s17;
	[tilespmem:s12+$0x0] =	vst @p0 v3;
	v2 =	vxor.u32 v18, v2  }
0x3d: {  	s16 =	sshll.u32 s26, $0x5;
	v62 =	vld.idx.msk [tilespmem:v17+s3+$0x0], $0xffff;
	[tilespmem:s18+$0x0] =	vst v2;
	v2 =	vshll.u32 v9, $0x10  }
0x3e: {  	v63 =	vld.idx.msk [tilespmem:v14+s3+$0x0], $0xffff;
	s16 =	sadd.s32 s13, s16;
	[tilespmem:s11+$0x400] =	vst @p0 v11;
	v2 =	vand.u32 $0x80000000, v2  }
0x3f: {  	v10 =	vld.idx.msk [tilespmem:v10+s3+$0x0], $0xffff;
	s16 =	sadd.s32 $0x20, s16;
	[tilespmem:s10+$0x400] =	vst @p0 v13;
	s18 =	sor.u32 s23, s17;
	v2 =	vxor.u32 v19, v2  }
0x40: {  	s20 =	sadd.s32 s15, s13;
	s16 =	sor.u32 $0x80, s16;
	[tilespmem:s18+$0x0] =	vst v2;
	v2 =	vshll.u32 v7, $0x10  }
0x41: {  	s24 =	sadd.s32 s13, s19;
	v3 =	vld.idx.msk [tilespmem:v8+s3+$0x0], $0xffff;
	s23 =	sor.u32 $0x80, s20;
	[tilespmem:s16+$0x400] =	vst v15;
	v2 =	vand.u32 $0x80000000, v2  }
0x42: {  	v5 =	vshll.u32 v5, $0x10;
	s25 =	sadd.s32 $0x10, s24;
	s26 =	sor.u32 s22, s17;
	[tilespmem:s23+$0x400] =	vst v61;
	v2 =	vxor.u32 v62, v2  }
0x43: {  	v5 =	vand.u32 $0x80000000, v5;
	s28 =	sor.u32 $0x80, s25;
	[tilespmem:s26+$0x0] =	vst v2  }
0x44: {  	s29 =	sadd.s32 $0x30, s24;
	s30 =	sor.u32 s21, s17;
	v2 =	vxor.u32 v63, v5;
	[tilespmem:s28+$0x400] =	vst v10  }
0x45: {  	s9 =	sadd.s32 $0x1, s9;
	s31 =	sor.u32 $0x80, s29;
	[tilespmem:s30+$0x0] =	vst v2  }
0x46: {  	p0 =	sne.s32 s9, s6;
	[tilespmem:s31+$0x400] =	vst v3  }
0x47: {  	[hbm4b:s5+s3] =	stream.linear.scatter [tilespmem:s8], [sflag:$0x1], $0x1000, $0x38;
	[tilespmem:$0x1400] =	vst v63  }
.Ltmp3:
0x48: {  	_ = 	snop;
	(pc) =	sbr.rel @p0 .LBB2_1-.Ltmp3, $4  }
.Ltmp4:
0x49: {  	_ = 	snop;
	(pc) =	sbr.rel @!p0 .LBB2_8-.Ltmp4, $4  }
0x4a: {  	_ =	swait.ge [sflag:s7], $0x1000  }
0x4b: {  	[sflag:s7] =	ssyncset.done $0x0  }
0x4c: {  	[sflag:s7] =	ssyncadd.s32 $0xFFFFF000  }
0x4d: {  	_ = 	snop  }
.LBB2_2:
.Ltmp5:
0x4e: {  	(pc) =	sbr.rel .LBB2_7-.Ltmp5, $2  }
0x4f: {  	_ =	sdelay $0x2  }
0x50: {  	s13 =	simm.s32 $0x0  }
.LBB2_4:
.Ltmp6:
0x51: {  	(pc) =	sbr.rel .LBB2_7-.Ltmp6, $3  }
0x52: {  	_ =	sdelay $0x1  }
0x53: {  	s24 =	simm.s32 $0x60  }
0x54: {  	s23 =	smov.u32 s16;
	s22 =	smov.u32 s17;
	s21 =	smov.u32 s18  }
.LBB2_8:
0x55: {  	_ =	sfence.sel $0x180000  }
0x56: {  	[bflag:$0x0] =	sbarrier.arrive $0xFFFF  }
0x57: {  	p0 =	sne.s32 s1, $0x0;
	_ =	strace $0x90000047  }
0x58: {  	s0 =	sadd.s32 @!p0 $0x100000, s0;
	[bflag:$0x2] =	sbarrier.arrive $0xFFFF  }
0x59: {  	[sflag:s0] =	ssyncadd.tile.s32 @!p0 $0x1;
	_ =	shalt  }
.Lfunc_end2:
_tile_overlayer_lowered:
.L_overlay_start_2:
0x5a: {  	(tag) =	ssettag $0x2  }
0x5b: {  	s0 =	rddreg [dreg:$0x0];
	s2 =	stileid.u32  }
0x5c: {  	s1 =	rddreg [dreg:$0x1];
	p0 =	sne.s32 s2, $0x0  }
0x5d: {  	s3 =	rddreg [dreg:$0x2];
	[bflag:$0x3] =	sbarrier.arrive $0xFFFF;
	s2 =	simm.s32 @!p0 $0x1C01  }
0x5e: {  	[timem:s3], [sflag:s2] =	dma.local @!p0 [hbm:s0], s1  }
0x5f: {  	s0 =	simm.s32 @!p0 $0x1  }
0x60: {  	_ =	swait.ge @!p0 [sflag:s0], s1  }
0x61: {  	s1 =	ssub.s32 @!p0 $0x0, s1;
	[sflag:s0] =	ssyncset.done @!p0 $0x0  }
0x62: {  	[sflag:s0] =	ssyncadd.s32 @!p0 s1  }
0x63: {  	[bflag:$0x3] =	sbarrier.arrive $0xFFFF  }
0x64: {  	_ =	shalt  }

</sc_bundles>
